<compile_context>
chip_gen: v7x
topology: tpu7x:2x2x1
jax: 0.10.2.dev20260603
libtpu: 0.0.44.dev20260713+nightly
codegen_flags: <defaults>
</compile_context>

<pallas_src>
import functools

import jax
import jax.numpy as jnp
from jax.experimental import pallas as pl
from jax.experimental.pallas import tpu as pltpu
from jax.experimental.pallas import tpu_sc as plsc

N = 5000
T = 256
NP = 5120
NB = NP // T
IOU_THR = 0.6
SCORE_THR = 0.1
NUM_CLASSES = 10

_NC, _NS = 2, 16
_NW = _NC * _NS
_BPW = NP // _NW
_D = 8
_TAB_ROWS = N + 8


def _make_sc_gather():
    mesh = plsc.VectorSubcoreMesh(core_axis_name="c", subcore_axis_name="s")

    @functools.partial(
        pl.kernel, mesh=mesh,
        compiler_params=pltpu.CompilerParams(use_tc_tiling_on_sc=False),
        out_type=jax.ShapeDtypeStruct((NP, _D), jnp.float32),
        scratch_types=[pltpu.VMEM((_BPW,), jnp.int32),
                       pltpu.VMEM((_BPW, _D), jnp.float32),
                       pltpu.SemaphoreType.DMA])
    def gather_k(tab_hbm, idx_hbm, rows_hbm, idx_v, rows_v, sem):
        wid = jax.lax.axis_index("s") * _NC + jax.lax.axis_index("c")
        base = wid * _BPW
        pltpu.sync_copy(idx_hbm.at[pl.ds(base, _BPW)], idx_v)
        pltpu.async_copy(tab_hbm.at[idx_v], rows_v, sem).wait()
        pltpu.sync_copy(rows_v, rows_hbm.at[pl.ds(base, _BPW)])

    return gather_k


_sc_gather_cache = []


def _sc_gather(tab, idx):
    if not _sc_gather_cache:
        _sc_gather_cache.append(_make_sc_gather())
    return _sc_gather_cache[0](tab, idx)


def _nms_kernel(ac_ref, out_ref, srr, scc, krr, lmm):
    f32 = jnp.float32
    ar = jnp.transpose(ac_ref[:, :])
    m = jnp.max(ar[0:4, :]) + 1.0
    offr = ar[4:5, :] * m
    offc = ac_ref[:, 4:5] * m
    srr[5:6, :] = ar[4:5, :]
    srr[6:7, :] = ar[5:6, :]
    for c in range(4):
        srr[c:c + 1, :] = ar[c:c + 1, :] + offr
        scc[:, c:c + 1] = ac_ref[:, c:c + 1] + offc
    srr[4:5, :] = (srr[2:3, :] - srr[0:1, :]) * (srr[3:4, :] - srr[1:2, :])
    scc[:, 4:5] = (scc[:, 2:3] - scc[:, 0:1]) * (scc[:, 3:4] - scc[:, 1:2])
    krr[0:1, :] = jnp.zeros((1, NP), f32)

    def lab_body(i, _):
        lb = srr[5:6, pl.ds(i * T, T)]
        lmm[0, i] = jnp.min(lb)
        lmm[1, i] = jnp.max(lb)
        return 0

    jax.lax.fori_loop(0, NB, lab_body, 0)

    def sup_tile(sb, qb):
        px1 = scc[pl.ds(sb, T), 0:1]
        py1 = scc[pl.ds(sb, T), 1:2]
        px2 = scc[pl.ds(sb, T), 2:3]
        py2 = scc[pl.ds(sb, T), 3:4]
        pa = scc[pl.ds(sb, T), 4:5]
        qx1 = srr[0:1, pl.ds(qb, T)]
        qy1 = srr[1:2, pl.ds(qb, T)]
        qx2 = srr[2:3, pl.ds(qb, T)]
        qy2 = srr[3:4, pl.ds(qb, T)]
        qa = srr[4:5, pl.ds(qb, T)]
        iw = jnp.maximum(jnp.minimum(px2, qx2) - jnp.maximum(px1, qx1), 0.0)
        ih = jnp.maximum(jnp.minimum(py2, qy2) - jnp.maximum(py1, qy1), 0.0)
        inter = iw * ih
        union = pa + qa - inter
        return jnp.where(inter > IOU_THR * union, 1.0, 0.0)

    dot_dims = (((1,), (0,)), ((), ()))

    def block_body(j, lo):
        base = j * T
        minlab_j = lmm[0, j]
        lo = jax.lax.while_loop(
            lambda i: lmm[1, i] < minlab_j, lambda i: i + 1, lo)

        def strip(i, acc):
            sb = i * T
            sup = sup_tile(sb, base)
            kv = krr[0:1, pl.ds(sb, T)]
            return acc + jax.lax.dot_general(
                kv, sup, dot_dims, preferred_element_type=f32)

        acc = jax.lax.fori_loop(lo, j, strip, jnp.zeros((1, T), f32))
        vb = jnp.where(srr[6:7, pl.ds(base, T)] >= SCORE_THR, 1.0, 0.0)
        alive = jnp.where(acc > 0.5, 0.0, vb)
        sd = sup_tile(base, base)
        rowi = jax.lax.broadcasted_iota(jnp.int32, (T, T), 0)
        coli = jax.lax.broadcasted_iota(jnp.int32, (T, T), 1)
        sd = jnp.where(coli > rowi, sd, 0.0)
        krr[0:1, pl.ds(base, T)] = alive

        def fcond(c):
            it, ch = c
            return jnp.logical_and(ch, it < T + 8)

        def fbody(c):
            it, _ = c
            kb = krr[0:1, pl.ds(base, T)]
            supv = jax.lax.dot_general(kb, sd, dot_dims,
                                       preferred_element_type=f32)
            new = jnp.where(supv > 0.5, 0.0, alive)
            krr[0:1, pl.ds(base, T)] = new
            ch = jnp.sum(jnp.abs(new - kb)) > 0.0
            return (it + jnp.int32(1), ch)

        jax.lax.while_loop(fcond, fbody, (jnp.int32(0), jnp.bool_(True)))
        return lo

    jax.lax.fori_loop(0, NB, block_body, jnp.int32(0))
    out_ref[0:1, :] = krr[0:1, :] * srr[6:7, :]


def _run_nms(ac):
    return pl.pallas_call(
        _nms_kernel,
        out_shape=jax.ShapeDtypeStruct((1, NP), jnp.float32),
        scratch_shapes=[pltpu.VMEM((8, NP), jnp.float32),
                        pltpu.VMEM((NP, 8), jnp.float32),
                        pltpu.VMEM((1, NP), jnp.float32),
                        pltpu.SMEM((2, NB), jnp.float32)],
    )(ac)


def kernel(boxes, scores, labels):
    f32 = jnp.float32
    neg = -scores
    iota = jnp.arange(N, dtype=jnp.int32)
    _, _, ord2 = jax.lax.sort((labels, neg, iota), num_keys=2, is_stable=True)
    body = jnp.concatenate(
        [boxes, labels.astype(f32)[:, None], scores[:, None],
         jnp.zeros((N, 2), f32)], axis=1)
    padrow = jnp.array(
        [[0.0, 0.0, 0.0, 0.0, float(NUM_CLASSES), -1.0, 0.0, 0.0]], f32)
    tab = jnp.concatenate(
        [body, jnp.broadcast_to(padrow, (_TAB_ROWS - N, _D))], axis=0)
    idxp = jnp.concatenate(
        [ord2, jnp.full((NP - N,), N, ord2.dtype)]).astype(jnp.int32)
    ac = _sc_gather(tab, idxp)
    out = _run_nms(ac)[0]
    negp = -ac[:, 5]
    _, _, outs = jax.lax.sort((negp, idxp, out), num_keys=2, is_stable=True)
    return outs[:N]

# --- scband reference (transcript-rebuilt; emitter-appended) ---
"""Pipeline reference for scband-frustum-ov3-det-29025388987055 (READ-ONLY COPY).

The authoritative reference and input builder live on the scoring server;
editing this copy changes nothing except your own understanding.
"""

import jax, jax.numpy as jnp
import numpy as np

N = 5000
IOU_THR = 0.6
SCORE_THR = 0.1
NUM_CLASSES = 10

def setup_inputs(seed: int = 0) -> dict:
    key = jax.random.key(seed)
    k1, k2, k3, k4 = jax.random.split(key, 4)
    # valid xyxy boxes in a 900x1600 image-scale coordinate frame
    xy = jax.random.uniform(k1, (N, 2), dtype=jnp.float32) * 1500.0
    wh = jax.random.uniform(k2, (N, 2), dtype=jnp.float32) * 100.0 + 1.0
    boxes = jnp.concatenate([xy, xy + wh], axis=-1)
    scores = jax.random.uniform(k3, (N,), dtype=jnp.float32)
    labels = jax.random.randint(k4, (N,), 0, NUM_CLASSES)
    return {"boxes": boxes, "scores": scores, "labels": labels}

def _pairwise_iou(b):
    x1, y1, x2, y2 = b[:, 0], b[:, 1], b[:, 2], b[:, 3]
    areas = (x2 - x1) * (y2 - y1)
    ix1 = jnp.maximum(x1[:, None], x1[None, :])
    iy1 = jnp.maximum(y1[:, None], y1[None, :])
    ix2 = jnp.minimum(x2[:, None], x2[None, :])
    iy2 = jnp.minimum(y2[:, None], y2[None, :])
    iw = jnp.maximum(ix2 - ix1, 0.0)
    ih = jnp.maximum(iy2 - iy1, 0.0)
    inter = iw * ih
    union = areas[:, None] + areas[None, :] - inter
    return inter / jnp.maximum(union, 1e-9)

def reference(boxes, scores, labels):
    # class-aware (batched) NMS via the coordinate-offset trick, matching
    # torchvision.ops.batched_nms used inside FrustumOV3DET.get_proposals
    max_coord = jnp.max(boxes) + 1.0
    offs = labels.astype(boxes.dtype)[:, None] * max_coord
    shifted = boxes + offs
    order = jnp.argsort(-scores)
    b = shifted[order]
    s = scores[order]
    iou = _pairwise_iou(b)
    sup_mat = iou > IOU_THR
    later = jnp.arange(N)[None, :] > jnp.arange(N)[:, None]
    sup_mat = sup_mat & later
    valid = s >= SCORE_THR  # score_thr filtering as in get_proposals
    def body(i, keep):
        sup = sup_mat[i] & keep[i]
        return keep & (~sup)
    keep = jax.lax.fori_loop(0, N, body, valid)
    kept_scores = jnp.where(keep, s, 0.0)
    return kept_scores

if __name__ == "__main__":
    import jax
    _d = setup_inputs()
    print(jax.jit(kernel)(*tuple(_d.values())))

</pallas_src>

<mosaic_0001>
#map = affine_map<(d0, d1) -> (0, 0)>
#map1 = affine_map<(d0, d1) -> (0)>
module attributes {stable_mosaic.version = 14 : i64} {
  func.func @gather_k(%arg0: i32, %arg1: i32, %arg2: memref<5008x8xf32, #tpu.memory_space<hbm>>, %arg3: memref<5120xi32, #tpu.memory_space<hbm>>, %arg4: memref<5120x8xf32, #tpu.memory_space<hbm>>, %arg5: memref<160xi32, #tpu.memory_space<vmem>>, %arg6: memref<160x8xf32, #tpu.memory_space<vmem>>, %arg7: memref<!tpu.dma_semaphore, #tpu.memory_space<semaphore_mem>>) attributes {dimension_semantics = [#tpu.dimension_semantics<core_parallel>, #tpu.dimension_semantics<subcore_parallel>], iteration_bounds = array<i64: 2, 16>, scalar_prefetch = 0 : i64, scratch_operands = 3 : i64, tpu.core_type = #tpu.core_type<sc_vector_subcore>, window_params = [{transform_indices = #map}, {transform_indices = #map1}, {transform_indices = #map}]} {
    %mul3A = arith.constant 2 : i32
    %mul3A_0 = arith.muli %arg1, %mul3A : i32
    %add3A = arith.addi %mul3A_0, %arg0 : i32
    %mul3A_1 = arith.constant 160 : i32
    %mul3A_2 = arith.muli %add3A, %mul3A_1 : i32
    "tpu.region"() ({
      %run_scoped3A = tpu.sem_alloc : memref<!tpu.dma_semaphore, #tpu.memory_space<semaphore_mem>>
      %dma_start3A_7 = tpu.memref_slice %arg3[%mul3A_2] : memref<5120xi32, #tpu.memory_space<hbm>> -> memref<160xi32, #tpu.memory_space<hbm>>
      %dma_start3A_8 = tpu.memref_slice %arg3[%mul3A_2] : memref<5120xi32, #tpu.memory_space<hbm>> -> memref<160xi32, #tpu.memory_space<hbm>>
      tpu.enqueue_dma source(%dma_start3A_8 : memref<160xi32, #tpu.memory_space<hbm>>) target(%arg5 : memref<160xi32, #tpu.memory_space<vmem>>) target_semaphore(%run_scoped3A : memref<!tpu.dma_semaphore, #tpu.memory_space<semaphore_mem>>)
      %dma_wait3A_9 = tpu.memref_slice %arg3[%mul3A_2] : memref<5120xi32, #tpu.memory_space<hbm>> -> memref<160xi32, #tpu.memory_space<hbm>>
      %dma_wait3A_10 = tpu.memref_slice %arg3[%mul3A_2] : memref<5120xi32, #tpu.memory_space<hbm>> -> memref<160xi32, #tpu.memory_space<hbm>>
      tpu.wait_dma2 semaphore(%run_scoped3A : memref<!tpu.dma_semaphore, #tpu.memory_space<semaphore_mem>>) src(%dma_wait3A_10 : memref<160xi32, #tpu.memory_space<hbm>>) dst(%arg5 : memref<160xi32, #tpu.memory_space<vmem>>)
      tpu.yield
    }) : () -> ()
    %dma_start3A = arith.constant 0 : i32
    %dma_start3A_3 = arith.constant 0 : i32
    %dma_start3A_4 = tpu.memref_slice %arg2[%dma_start3A, %dma_start3A_3] : memref<5008x8xf32, #tpu.memory_space<hbm>> -> memref<5008x8xf32, #tpu.memory_space<hbm>>
    tpu.enqueue_indirect_dma source(%dma_start3A_4 : memref<5008x8xf32, #tpu.memory_space<hbm>>) target(%arg6 : memref<160x8xf32, #tpu.memory_space<vmem>>) offsets(%arg5 : memref<160xi32, #tpu.memory_space<vmem>>) semaphore(%arg7 : memref<!tpu.dma_semaphore, #tpu.memory_space<semaphore_mem>>)
    %dma_wait3A = arith.constant 0 : i32
    %dma_wait3A_5 = arith.constant 0 : i32
    %dma_wait3A_6 = tpu.memref_slice %arg2[%dma_wait3A, %dma_wait3A_5] : memref<5008x8xf32, #tpu.memory_space<hbm>> -> memref<5008x8xf32, #tpu.memory_space<hbm>>
    tpu.wait_indirect_dma semaphore(%arg7 : memref<!tpu.dma_semaphore, #tpu.memory_space<semaphore_mem>>) src(%dma_wait3A_6 : memref<5008x8xf32, #tpu.memory_space<hbm>>) dst(%arg6 : memref<160x8xf32, #tpu.memory_space<vmem>>)
    "tpu.region"() ({
      %run_scoped3A = tpu.sem_alloc : memref<!tpu.dma_semaphore, #tpu.memory_space<semaphore_mem>>
      %dma_start3A_7 = arith.constant 0 : i32
      %dma_start3A_8 = tpu.memref_slice %arg4[%mul3A_2, %dma_start3A_7] : memref<5120x8xf32, #tpu.memory_space<hbm>> -> memref<160x8xf32, #tpu.memory_space<hbm>>
      %dma_start3A_9 = arith.constant 0 : i32
      %dma_start3A_10 = tpu.memref_slice %arg4[%mul3A_2, %dma_start3A_9] : memref<5120x8xf32, #tpu.memory_space<hbm>> -> memref<160x8xf32, #tpu.memory_space<hbm>>
      tpu.enqueue_dma source(%arg6 : memref<160x8xf32, #tpu.memory_space<vmem>>) target(%dma_start3A_10 : memref<160x8xf32, #tpu.memory_space<hbm>>) target_semaphore(%run_scoped3A : memref<!tpu.dma_semaphore, #tpu.memory_space<semaphore_mem>>)
      %dma_wait3A_11 = arith.constant 0 : i32
      %dma_wait3A_12 = tpu.memref_slice %arg4[%mul3A_2, %dma_wait3A_11] : memref<5120x8xf32, #tpu.memory_space<hbm>> -> memref<160x8xf32, #tpu.memory_space<hbm>>
      %dma_wait3A_13 = arith.constant 0 : i32
      %dma_wait3A_14 = tpu.memref_slice %arg4[%mul3A_2, %dma_wait3A_13] : memref<5120x8xf32, #tpu.memory_space<hbm>> -> memref<160x8xf32, #tpu.memory_space<hbm>>
      tpu.wait_dma2 semaphore(%run_scoped3A : memref<!tpu.dma_semaphore, #tpu.memory_space<semaphore_mem>>) src(%arg6 : memref<160x8xf32, #tpu.memory_space<vmem>>) dst(%dma_wait3A_14 : memref<160x8xf32, #tpu.memory_space<hbm>>)
      tpu.yield
    }) : () -> ()
    return
  }
}

module attributes {stable_mosaic.version = 14 : i64} {
  func.func @_nms_kernel(%arg0: memref<5120x8xf32, #tpu.memory_space<vmem>>, %arg1: memref<1x5120xf32, #tpu.memory_space<vmem>>, %arg2: memref<8x5120xf32, #tpu.memory_space<vmem>>, %arg3: memref<5120x8xf32, #tpu.memory_space<vmem>>, %arg4: memref<1x5120xf32, #tpu.memory_space<vmem>>, %arg5: memref<2x20xf32, #tpu.memory_space<smem>>) attributes {dimension_semantics = [], scalar_prefetch = 0 : i64, scratch_operands = 4 : i64, tpu.core_type = #tpu.core_type<tc>} {
    %get3A = arith.constant 0 : index
    %get3A_0 = arith.constant 0 : index
    %get3A_1 = vector.load %arg0[%get3A, %get3A_0] : memref<5120x8xf32, #tpu.memory_space<vmem>>, vector<5120x8xf32>
    %transpose3A = tpu.transpose %get3A_1, [1, 0] : vector<5120x8xf32> -> vector<8x5120xf32>
    %slice3A = vector.extract_strided_slice %transpose3A {offsets = [0, 0], sizes = [4, 5120], strides = [1, 1]} : vector<8x5120xf32> to vector<4x5120xf32>
    %reduce_max3A = vector.shape_cast %slice3A : vector<4x5120xf32> to vector<1x4x5120xf32>
    %reduce_max3A_2 = arith.constant dense<0xFF800000> : vector<1xf32>
    %reduce_max3A_3 = vector.multi_reduction <maximumf>, %reduce_max3A, %reduce_max3A_2 [1, 2] : vector<1x4x5120xf32> to vector<1xf32>
    %reduce_max3A_4 = vector.shape_cast %reduce_max3A_3 : vector<1xf32> to vector<1x1x1xf32>
    %reduce_max3A_5 = vector.extract %reduce_max3A_4[0, 0, 0] : f32 from vector<1x1x1xf32>
    %add3A = arith.constant 1.000000e+00 : f32
    %add3A_6 = arith.addf %reduce_max3A_5, %add3A : f32
    %slice3A_7 = vector.extract_strided_slice %transpose3A {offsets = [4, 0], sizes = [1, 5120], strides = [1, 1]} : vector<8x5120xf32> to vector<1x5120xf32>
    %mul3A = vector.broadcast %add3A_6 : f32 to vector<1x5120xf32>
    %mul3A_8 = arith.mulf %slice3A_7, %mul3A : vector<1x5120xf32>
    %get3A_9 = arith.constant 0 : index
    %get3A_10 = arith.constant 4 : index
    %get3A_11 = vector.load %arg0[%get3A_9, %get3A_10] : memref<5120x8xf32, #tpu.memory_space<vmem>>, vector<5120x1xf32>
    %mul3A_12 = vector.broadcast %add3A_6 : f32 to vector<5120x1xf32>
    %mul3A_13 = arith.mulf %get3A_11, %mul3A_12 : vector<5120x1xf32>
    %slice3A_14 = vector.extract_strided_slice %transpose3A {offsets = [4, 0], sizes = [1, 5120], strides = [1, 1]} : vector<8x5120xf32> to vector<1x5120xf32>
    %swap3A = arith.constant 5 : index
    %swap3A_15 = arith.constant 0 : index
    %swap3A_16 = vector.load %arg2[%swap3A, %swap3A_15] : memref<8x5120xf32, #tpu.memory_space<vmem>>, vector<1x5120xf32>
    tpu.vector_store %arg2[%swap3A, %swap3A_15], %slice3A_14 {strides = array<i32>} : memref<8x5120xf32, #tpu.memory_space<vmem>>, vector<1x5120xf32>,
    %slice3A_17 = vector.extract_strided_slice %transpose3A {offsets = [5, 0], sizes = [1, 5120], strides = [1, 1]} : vector<8x5120xf32> to vector<1x5120xf32>
    %swap3A_18 = arith.constant 6 : index
    %swap3A_19 = arith.constant 0 : index
    %swap3A_20 = vector.load %arg2[%swap3A_18, %swap3A_19] : memref<8x5120xf32, #tpu.memory_space<vmem>>, vector<1x5120xf32>
    tpu.vector_store %arg2[%swap3A_18, %swap3A_19], %slice3A_17 {strides = array<i32>} : memref<8x5120xf32, #tpu.memory_space<vmem>>, vector<1x5120xf32>,
    %slice3A_21 = vector.extract_strided_slice %transpose3A {offsets = [0, 0], sizes = [1, 5120], strides = [1, 1]} : vector<8x5120xf32> to vector<1x5120xf32>
    %add3A_22 = arith.addf %slice3A_21, %mul3A_8 : vector<1x5120xf32>
    %swap3A_23 = arith.constant 0 : index
    %swap3A_24 = arith.constant 0 : index
    %swap3A_25 = vector.load %arg2[%swap3A_23, %swap3A_24] : memref<8x5120xf32, #tpu.memory_space<vmem>>, vector<1x5120xf32>
    tpu.vector_store %arg2[%swap3A_23, %swap3A_24], %add3A_22 {strides = array<i32>} : memref<8x5120xf32, #tpu.memory_space<vmem>>, vector<1x5120xf32>,
    %get3A_26 = arith.constant 0 : index
    %get3A_27 = arith.constant 0 : index
    %get3A_28 = vector.load %arg0[%get3A_26, %get3A_27] : memref<5120x8xf32, #tpu.memory_space<vmem>>, vector<5120x1xf32>
    %add3A_29 = arith.addf %get3A_28, %mul3A_13 : vector<5120x1xf32>
    %swap3A_30 = arith.constant 0 : index
    %swap3A_31 = arith.constant 0 : index
    %swap3A_32 = vector.load %arg3[%swap3A_30, %swap3A_31] : memref<5120x8xf32, #tpu.memory_space<vmem>>, vector<5120x1xf32>
    tpu.vector_store %arg3[%swap3A_30, %swap3A_31], %add3A_29 {strides = array<i32>} : memref<5120x8xf32, #tpu.memory_space<vmem>>, vector<5120x1xf32>,
    %slice3A_33 = vector.extract_strided_slice %transpose3A {offsets = [1, 0], sizes = [1, 5120], strides = [1, 1]} : vector<8x5120xf32> to vector<1x5120xf32>
    %add3A_34 = arith.addf %slice3A_33, %mul3A_8 : vector<1x5120xf32>
    %swap3A_35 = arith.constant 1 : index
    %swap3A_36 = arith.constant 0 : index
    %swap3A_37 = vector.load %arg2[%swap3A_35, %swap3A_36] : memref<8x5120xf32, #tpu.memory_space<vmem>>, vector<1x5120xf32>
    tpu.vector_store %arg2[%swap3A_35, %swap3A_36], %add3A_34 {strides = array<i32>} : memref<8x5120xf32, #tpu.memory_space<vmem>>, vector<1x5120xf32>,
    %get3A_38 = arith.constant 0 : index
    %get3A_39 = arith.constant 1 : index
    %get3A_40 = vector.load %arg0[%get3A_38, %get3A_39] : memref<5120x8xf32, #tpu.memory_space<vmem>>, vector<5120x1xf32>
    %add3A_41 = arith.addf %get3A_40, %mul3A_13 : vector<5120x1xf32>
    %swap3A_42 = arith.constant 0 : index
    %swap3A_43 = arith.constant 1 : index
    %swap3A_44 = vector.load %arg3[%swap3A_42, %swap3A_43] : memref<5120x8xf32, #tpu.memory_space<vmem>>, vector<5120x1xf32>
    tpu.vector_store %arg3[%swap3A_42, %swap3A_43], %add3A_41 {strides = array<i32>} : memref<5120x8xf32, #tpu.memory_space<vmem>>, vector<5120x1xf32>,
    %slice3A_45 = vector.extract_strided_slice %transpose3A {offsets = [2, 0], sizes = [1, 5120], strides = [1, 1]} : vector<8x5120xf32> to vector<1x5120xf32>
    %add3A_46 = arith.addf %slice3A_45, %mul3A_8 : vector<1x5120xf32>
    %swap3A_47 = arith.constant 2 : index
    %swap3A_48 = arith.constant 0 : index
    %swap3A_49 = vector.load %arg2[%swap3A_47, %swap3A_48] : memref<8x5120xf32, #tpu.memory_space<vmem>>, vector<1x5120xf32>
    tpu.vector_store %arg2[%swap3A_47, %swap3A_48], %add3A_46 {strides = array<i32>} : memref<8x5120xf32, #tpu.memory_space<vmem>>, vector<1x5120xf32>,
    %get3A_50 = arith.constant 0 : index
    %get3A_51 = arith.constant 2 : index
    %get3A_52 = vector.load %arg0[%get3A_50, %get3A_51] : memref<5120x8xf32, #tpu.memory_space<vmem>>, vector<5120x1xf32>
    %add3A_53 = arith.addf %get3A_52, %mul3A_13 : vector<5120x1xf32>
    %swap3A_54 = arith.constant 0 : index
    %swap3A_55 = arith.constant 2 : index
    %swap3A_56 = vector.load %arg3[%swap3A_54, %swap3A_55] : memref<5120x8xf32, #tpu.memory_space<vmem>>, vector<5120x1xf32>
    tpu.vector_store %arg3[%swap3A_54, %swap3A_55], %add3A_53 {strides = array<i32>} : memref<5120x8xf32, #tpu.memory_space<vmem>>, vector<5120x1xf32>,
    %slice3A_57 = vector.extract_strided_slice %transpose3A {offsets = [3, 0], sizes = [1, 5120], strides = [1, 1]} : vector<8x5120xf32> to vector<1x5120xf32>
    %add3A_58 = arith.addf %slice3A_57, %mul3A_8 : vector<1x5120xf32>
    %swap3A_59 = arith.constant 3 : index
    %swap3A_60 = arith.constant 0 : index
    %swap3A_61 = vector.load %arg2[%swap3A_59, %swap3A_60] : memref<8x5120xf32, #tpu.memory_space<vmem>>, vector<1x5120xf32>
    tpu.vector_store %arg2[%swap3A_59, %swap3A_60], %add3A_58 {strides = array<i32>} : memref<8x5120xf32, #tpu.memory_space<vmem>>, vector<1x5120xf32>,
    %get3A_62 = arith.constant 0 : index
    %get3A_63 = arith.constant 3 : index
    %get3A_64 = vector.load %arg0[%get3A_62, %get3A_63] : memref<5120x8xf32, #tpu.memory_space<vmem>>, vector<5120x1xf32>
    %add3A_65 = arith.addf %get3A_64, %mul3A_13 : vector<5120x1xf32>
    %swap3A_66 = arith.constant 0 : index
    %swap3A_67 = arith.constant 3 : index
    %swap3A_68 = vector.load %arg3[%swap3A_66, %swap3A_67] : memref<5120x8xf32, #tpu.memory_space<vmem>>, vector<5120x1xf32>
    tpu.vector_store %arg3[%swap3A_66, %swap3A_67], %add3A_65 {strides = array<i32>} : memref<5120x8xf32, #tpu.memory_space<vmem>>, vector<5120x1xf32>,
    %get3A_69 = arith.constant 2 : index
    %get3A_70 = arith.constant 0 : index
    %get3A_71 = vector.load %arg2[%get3A_69, %get3A_70] : memref<8x5120xf32, #tpu.memory_space<vmem>>, vector<1x5120xf32>
    %get3A_72 = arith.constant 0 : index
    %get3A_73 = arith.constant 0 : index
    %get3A_74 = vector.load %arg2[%get3A_72, %get3A_73] : memref<8x5120xf32, #tpu.memory_space<vmem>>, vector<1x5120xf32>
    %sub3A = arith.subf %get3A_71, %get3A_74 : vector<1x5120xf32>
    %get3A_75 = arith.constant 3 : index
    %get3A_76 = arith.constant 0 : index
    %get3A_77 = vector.load %arg2[%get3A_75, %get3A_76] : memref<8x5120xf32, #tpu.memory_space<vmem>>, vector<1x5120xf32>
    %get3A_78 = arith.constant 1 : index
    %get3A_79 = arith.constant 0 : index
    %get3A_80 = vector.load %arg2[%get3A_78, %get3A_79] : memref<8x5120xf32, #tpu.memory_space<vmem>>, vector<1x5120xf32>
    %sub3A_81 = arith.subf %get3A_77, %get3A_80 : vector<1x5120xf32>
    %mul3A_82 = arith.mulf %sub3A, %sub3A_81 : vector<1x5120xf32>
    %swap3A_83 = arith.constant 4 : index
    %swap3A_84 = arith.constant 0 : index
    %swap3A_85 = vector.load %arg2[%swap3A_83, %swap3A_84] : memref<8x5120xf32, #tpu.memory_space<vmem>>, vector<1x5120xf32>
    tpu.vector_store %arg2[%swap3A_83, %swap3A_84], %mul3A_82 {strides = array<i32>} : memref<8x5120xf32, #tpu.memory_space<vmem>>, vector<1x5120xf32>,
    %get3A_86 = arith.constant 0 : index
    %get3A_87 = arith.constant 2 : index
    %get3A_88 = vector.load %arg3[%get3A_86, %get3A_87] : memref<5120x8xf32, #tpu.memory_space<vmem>>, vector<5120x1xf32>
    %get3A_89 = arith.constant 0 : index
    %get3A_90 = arith.constant 0 : index
    %get3A_91 = vector.load %arg3[%get3A_89, %get3A_90] : memref<5120x8xf32, #tpu.memory_space<vmem>>, vector<5120x1xf32>
    %sub3A_92 = arith.subf %get3A_88, %get3A_91 : vector<5120x1xf32>
    %get3A_93 = arith.constant 0 : index
    %get3A_94 = arith.constant 3 : index
    %get3A_95 = vector.load %arg3[%get3A_93, %get3A_94] : memref<5120x8xf32, #tpu.memory_space<vmem>>, vector<5120x1xf32>
    %get3A_96 = arith.constant 0 : index
    %get3A_97 = arith.constant 1 : index
    %get3A_98 = vector.load %arg3[%get3A_96, %get3A_97] : memref<5120x8xf32, #tpu.memory_space<vmem>>, vector<5120x1xf32>
    %sub3A_99 = arith.subf %get3A_95, %get3A_98 : vector<5120x1xf32>
    %mul3A_100 = arith.mulf %sub3A_92, %sub3A_99 : vector<5120x1xf32>
    %swap3A_101 = arith.constant 0 : index
    %swap3A_102 = arith.constant 4 : index
    %swap3A_103 = vector.load %arg3[%swap3A_101, %swap3A_102] : memref<5120x8xf32, #tpu.memory_space<vmem>>, vector<5120x1xf32>
    tpu.vector_store %arg3[%swap3A_101, %swap3A_102], %mul3A_100 {strides = array<i32>} : memref<5120x8xf32, #tpu.memory_space<vmem>>, vector<5120x1xf32>,
    %broadcast_in_dim3A = arith.constant 0.000000e+00 : f32
    %broadcast_in_dim3A_104 = vector.broadcast %broadcast_in_dim3A : f32 to vector<1x5120xf32>
    %swap3A_105 = arith.constant 0 : index
    %swap3A_106 = arith.constant 0 : index
    %swap3A_107 = vector.load %arg4[%swap3A_105, %swap3A_106] : memref<1x5120xf32, #tpu.memory_space<vmem>>, vector<1x5120xf32>
    tpu.vector_store %arg4[%swap3A_105, %swap3A_106], %broadcast_in_dim3A_104 {strides = array<i32>} : memref<1x5120xf32, #tpu.memory_space<vmem>>, vector<1x5120xf32>,
    %scan3A = arith.constant 0 : i32
    %scan3A_108 = arith.constant 20 : i32
    %scan3A_109 = arith.addi %scan3A, %scan3A_108 : i32
    %scan3A_110 = arith.constant 1 : i32
    scf.for %scan3A_129 = %scan3A to %scan3A_109 step %scan3A_110  : i32 {
      %mul3A_130 = arith.constant 256 : i32
      %mul3A_131 = arith.muli %scan3A_129, %mul3A_130 : i32
      %get3A_132 = arith.constant 5 : index
      %get3A_133 = arith.index_cast %mul3A_131 : i32 to index
      %get3A_134 = vector.load %arg2[%get3A_132, %get3A_133] : memref<8x5120xf32, #tpu.memory_space<vmem>>, vector<1x256xf32>
      %reduce_min3A = vector.shape_cast %get3A_134 : vector<1x256xf32> to vector<1x1x256xf32>
      %reduce_min3A_135 = arith.constant dense<0x7F800000> : vector<1xf32>
      %reduce_min3A_136 = vector.multi_reduction <minimumf>, %reduce_min3A, %reduce_min3A_135 [1, 2] : vector<1x1x256xf32> to vector<1xf32>
      %reduce_min3A_137 = vector.shape_cast %reduce_min3A_136 : vector<1xf32> to vector<1x1x1xf32>
      %reduce_min3A_138 = vector.extract %reduce_min3A_137[0, 0, 0] : f32 from vector<1x1x1xf32>
      %swap3A_139 = arith.constant 0 : index
      %swap3A_140 = arith.index_cast %scan3A_129 : i32 to index
      %swap3A_141 = memref.load %arg5[%swap3A_139, %swap3A_140] : memref<2x20xf32, #tpu.memory_space<smem>>
      memref.store %reduce_min3A_138, %arg5[%swap3A_139, %swap3A_140] : memref<2x20xf32, #tpu.memory_space<smem>>
      %reduce_max3A_142 = vector.shape_cast %get3A_134 : vector<1x256xf32> to vector<1x1x256xf32>
      %reduce_max3A_143 = arith.constant dense<0xFF800000> : vector<1xf32>
      %reduce_max3A_144 = vector.multi_reduction <maximumf>, %reduce_max3A_142, %reduce_max3A_143 [1, 2] : vector<1x1x256xf32> to vector<1xf32>
      %reduce_max3A_145 = vector.shape_cast %reduce_max3A_144 : vector<1xf32> to vector<1x1x1xf32>
      %reduce_max3A_146 = vector.extract %reduce_max3A_145[0, 0, 0] : f32 from vector<1x1x1xf32>
      %swap3A_147 = arith.constant 1 : index
      %swap3A_148 = arith.index_cast %scan3A_129 : i32 to index
      %swap3A_149 = memref.load %arg5[%swap3A_147, %swap3A_148] : memref<2x20xf32, #tpu.memory_space<smem>>
      memref.store %reduce_max3A_146, %arg5[%swap3A_147, %swap3A_148] : memref<2x20xf32, #tpu.memory_space<smem>>
    }
    %scan3A_111 = arith.constant 20 : i32
    %scan3A_112 = arith.constant 0 : i32
    %scan3A_113 = arith.constant 0 : i32
    %scan3A_114 = arith.constant 20 : i32
    %scan3A_115 = arith.addi %scan3A_113, %scan3A_114 : i32
    %scan3A_116 = arith.constant 1 : i32
    %scan3A_117 = scf.for %scan3A_129 = %scan3A_113 to %scan3A_115 step %scan3A_116 iter_args(%scan3A_130 = %scan3A_112) -> (i32)  : i32 {
      %mul3A_131 = arith.constant 256 : i32
      %mul3A_132 = arith.muli %scan3A_129, %mul3A_131 : i32
      %get3A_133 = arith.constant 0 : index
      %get3A_134 = arith.index_cast %scan3A_129 : i32 to index
      %get3A_135 = memref.load %arg5[%get3A_133, %get3A_134] : memref<2x20xf32, #tpu.memory_space<smem>>
      %while3A = scf.while (%while3A_234 = %scan3A_130) : (i32) -> i32 {
        %get3A_235 = arith.constant 1 : index
        %get3A_236 = arith.index_cast %while3A_234 : i32 to index
        %get3A_237 = memref.load %arg5[%get3A_235, %get3A_236] : memref<2x20xf32, #tpu.memory_space<smem>>
        %lt3A = arith.cmpf olt, %get3A_237, %get3A_135 : f32
        scf.condition(%lt3A) %while3A_234 : i32
      } do {
      ^bb0(%while3A_234: i32):
        %add3A_235 = arith.constant 1 : i32
        %add3A_236 = arith.addi %while3A_234, %add3A_235 : i32
        scf.yield %add3A_236 : i32
      }
      %broadcast_in_dim3A_136 = arith.constant 0.000000e+00 : f32
      %broadcast_in_dim3A_137 = vector.broadcast %broadcast_in_dim3A_136 : f32 to vector<1x256xf32>
      %while3A_138 = arith.subi %scan3A_129, %while3A : i32
      %while3A_139 = arith.addi %while3A, %while3A_138 : i32
      %while3A_140 = arith.constant 1 : i32
      %while3A_141 = arith.divsi %while3A_138, %while3A_140 : i32
      %while3A_142 = arith.muli %while3A_141, %while3A_140 : i32
      %while3A_143 = arith.addi %while3A, %while3A_142 : i32
      %while3A_144 = arith.constant 1 : i32
      %while3A_145 = scf.for %while3A_234 = %while3A to %while3A_143 step %while3A_144 iter_args(%while3A_235 = %broadcast_in_dim3A_137) -> (vector<1x256xf32>)  : i32 {
        %mul3A_236 = arith.constant 256 : i32
        %mul3A_237 = arith.muli %while3A_234, %mul3A_236 : i32
        %get3A_238 = arith.index_cast %mul3A_237 : i32 to index
        %get3A_239 = arith.constant 0 : index
        %get3A_240 = vector.load %arg3[%get3A_238, %get3A_239] : memref<5120x8xf32, #tpu.memory_space<vmem>>, vector<256x1xf32>
        %get3A_241 = arith.index_cast %mul3A_237 : i32 to index
        %get3A_242 = arith.constant 1 : index
        %get3A_243 = vector.load %arg3[%get3A_241, %get3A_242] : memref<5120x8xf32, #tpu.memory_space<vmem>>, vector<256x1xf32>
        %get3A_244 = arith.index_cast %mul3A_237 : i32 to index
        %get3A_245 = arith.constant 2 : index
        %get3A_246 = vector.load %arg3[%get3A_244, %get3A_245] : memref<5120x8xf32, #tpu.memory_space<vmem>>, vector<256x1xf32>
        %get3A_247 = arith.index_cast %mul3A_237 : i32 to index
        %get3A_248 = arith.constant 3 : index
        %get3A_249 = vector.load %arg3[%get3A_247, %get3A_248] : memref<5120x8xf32, #tpu.memory_space<vmem>>, vector<256x1xf32>
        %get3A_250 = arith.index_cast %mul3A_237 : i32 to index
        %get3A_251 = arith.constant 4 : index
        %get3A_252 = vector.load %arg3[%get3A_250, %get3A_251] : memref<5120x8xf32, #tpu.memory_space<vmem>>, vector<256x1xf32>
        %get3A_253 = arith.constant 0 : index
        %get3A_254 = arith.index_cast %mul3A_132 : i32 to index
        %get3A_255 = vector.load %arg2[%get3A_253, %get3A_254] : memref<8x5120xf32, #tpu.memory_space<vmem>>, vector<1x256xf32>
        %get3A_256 = arith.constant 1 : index
        %get3A_257 = arith.index_cast %mul3A_132 : i32 to index
        %get3A_258 = vector.load %arg2[%get3A_256, %get3A_257] : memref<8x5120xf32, #tpu.memory_space<vmem>>, vector<1x256xf32>
        %get3A_259 = arith.constant 2 : index
        %get3A_260 = arith.index_cast %mul3A_132 : i32 to index
        %get3A_261 = vector.load %arg2[%get3A_259, %get3A_260] : memref<8x5120xf32, #tpu.memory_space<vmem>>, vector<1x256xf32>
        %get3A_262 = arith.constant 3 : index
        %get3A_263 = arith.index_cast %mul3A_132 : i32 to index
        %get3A_264 = vector.load %arg2[%get3A_262, %get3A_263] : memref<8x5120xf32, #tpu.memory_space<vmem>>, vector<1x256xf32>
        %get3A_265 = arith.constant 4 : index
        %get3A_266 = arith.index_cast %mul3A_132 : i32 to index
        %get3A_267 = vector.load %arg2[%get3A_265, %get3A_266] : memref<8x5120xf32, #tpu.memory_space<vmem>>, vector<1x256xf32>
        %min3A_268 = vector.broadcast %get3A_246 : vector<256x1xf32> to vector<256x256xf32>
        %min3A_269 = vector.broadcast %get3A_261 : vector<1x256xf32> to vector<256x256xf32>
        %min3A_270 = arith.minimumf %min3A_268, %min3A_269 : vector<256x256xf32>
        %max3A_271 = vector.broadcast %get3A_240 : vector<256x1xf32> to vector<256x256xf32>
        %max3A_272 = vector.broadcast %get3A_255 : vector<1x256xf32> to vector<256x256xf32>
        %max3A_273 = arith.maximumf %max3A_271, %max3A_272 : vector<256x256xf32>
        %sub3A_274 = arith.subf %min3A_270, %max3A_273 : vector<256x256xf32>
        %max3A_275 = arith.constant 0.000000e+00 : f32
        %max3A_276 = vector.broadcast %max3A_275 : f32 to vector<256x256xf32>
        %max3A_277 = arith.maximumf %sub3A_274, %max3A_276 : vector<256x256xf32>
        %min3A_278 = vector.broadcast %get3A_249 : vector<256x1xf32> to vector<256x256xf32>
        %min3A_279 = vector.broadcast %get3A_264 : vector<1x256xf32> to vector<256x256xf32>
        %min3A_280 = arith.minimumf %min3A_278, %min3A_279 : vector<256x256xf32>
        %max3A_281 = vector.broadcast %get3A_243 : vector<256x1xf32> to vector<256x256xf32>
        %max3A_282 = vector.broadcast %get3A_258 : vector<1x256xf32> to vector<256x256xf32>
        %max3A_283 = arith.maximumf %max3A_281, %max3A_282 : vector<256x256xf32>
        %sub3A_284 = arith.subf %min3A_280, %max3A_283 : vector<256x256xf32>
        %max3A_285 = arith.constant 0.000000e+00 : f32
        %max3A_286 = vector.broadcast %max3A_285 : f32 to vector<256x256xf32>
        %max3A_287 = arith.maximumf %sub3A_284, %max3A_286 : vector<256x256xf32>
        %mul3A_288 = arith.mulf %max3A_277, %max3A_287 : vector<256x256xf32>
        %add3A_289 = vector.broadcast %get3A_252 : vector<256x1xf32> to vector<256x256xf32>
        %add3A_290 = vector.broadcast %get3A_267 : vector<1x256xf32> to vector<256x256xf32>
        %add3A_291 = arith.addf %add3A_289, %add3A_290 : vector<256x256xf32>
        %sub3A_292 = arith.subf %add3A_291, %mul3A_288 : vector<256x256xf32>
        %mul3A_293 = arith.constant 6.000000e-01 : f32
        %mul3A_294 = vector.broadcast %mul3A_293 : f32 to vector<256x256xf32>
        %mul3A_295 = arith.mulf %mul3A_294, %sub3A_292 : vector<256x256xf32>
        %gt3A_296 = arith.cmpf ogt, %mul3A_288, %mul3A_295 : vector<256x256xf32>
        %jit3A_297 = arith.constant 1.000000e+00 : f32
        %jit3A_298 = arith.constant 0.000000e+00 : f32
        %broadcast_in_dim3A_299 = vector.broadcast %jit3A_297 : f32 to vector<256x256xf32>
        %broadcast_in_dim3A_300 = vector.broadcast %jit3A_298 : f32 to vector<256x256xf32>
        %select_n3A_301 = arith.select %gt3A_296, %broadcast_in_dim3A_299, %broadcast_in_dim3A_300 : vector<256x256xi1>, vector<256x256xf32>
        %get3A_302 = arith.constant 0 : index
        %get3A_303 = arith.index_cast %mul3A_237 : i32 to index
        %get3A_304 = vector.load %arg4[%get3A_302, %get3A_303] : memref<1x5120xf32, #tpu.memory_space<vmem>>, vector<1x256xf32>
        %dot_general3A = arith.constant dense<0.000000e+00> : vector<1x256xf32>
        %dot_general3A_305 = tpu.matmul %get3A_304, %select_n3A_301, %dot_general3A {dimension_numbers = #tpu.dot_dimension_numbers<[1], [0], [0], [1], [0, 0, 1, 1], [], []>, transpose_lhs_hint = false} : vector<1x256xf32>, vector<256x256xf32>, vector<1x256xf32> -> vector<1x256xf32>
        %add3A_306 = arith.addf %while3A_235, %dot_general3A_305 : vector<1x256xf32>
        scf.yield %add3A_306 : vector<1x256xf32>
      }
      %while3A_146 = arith.constant 1 : i32
      %while3A_147 = scf.for %while3A_234 = %while3A_143 to %while3A_139 step %while3A_146 iter_args(%while3A_235 = %while3A_145) -> (vector<1x256xf32>)  : i32 {
        %mul3A_236 = arith.constant 256 : i32
        %mul3A_237 = arith.muli %while3A_234, %mul3A_236 : i32
        %get3A_238 = arith.index_cast %mul3A_237 : i32 to index
        %get3A_239 = arith.constant 0 : index
        %get3A_240 = vector.load %arg3[%get3A_238, %get3A_239] : memref<5120x8xf32, #tpu.memory_space<vmem>>, vector<256x1xf32>
        %get3A_241 = arith.index_cast %mul3A_237 : i32 to index
        %get3A_242 = arith.constant 1 : index
        %get3A_243 = vector.load %arg3[%get3A_241, %get3A_242] : memref<5120x8xf32, #tpu.memory_space<vmem>>, vector<256x1xf32>
        %get3A_244 = arith.index_cast %mul3A_237 : i32 to index
        %get3A_245 = arith.constant 2 : index
        %get3A_246 = vector.load %arg3[%get3A_244, %get3A_245] : memref<5120x8xf32, #tpu.memory_space<vmem>>, vector<256x1xf32>
        %get3A_247 = arith.index_cast %mul3A_237 : i32 to index
        %get3A_248 = arith.constant 3 : index
        %get3A_249 = vector.load %arg3[%get3A_247, %get3A_248] : memref<5120x8xf32, #tpu.memory_space<vmem>>, vector<256x1xf32>
        %get3A_250 = arith.index_cast %mul3A_237 : i32 to index
        %get3A_251 = arith.constant 4 : index
        %get3A_252 = vector.load %arg3[%get3A_250, %get3A_251] : memref<5120x8xf32, #tpu.memory_space<vmem>>, vector<256x1xf32>
        %get3A_253 = arith.constant 0 : index
        %get3A_254 = arith.index_cast %mul3A_132 : i32 to index
        %get3A_255 = vector.load %arg2[%get3A_253, %get3A_254] : memref<8x5120xf32, #tpu.memory_space<vmem>>, vector<1x256xf32>
        %get3A_256 = arith.constant 1 : index
        %get3A_257 = arith.index_cast %mul3A_132 : i32 to index
        %get3A_258 = vector.load %arg2[%get3A_256, %get3A_257] : memref<8x5120xf32, #tpu.memory_space<vmem>>, vector<1x256xf32>
        %get3A_259 = arith.constant 2 : index
        %get3A_260 = arith.index_cast %mul3A_132 : i32 to index
        %get3A_261 = vector.load %arg2[%get3A_259, %get3A_260] : memref<8x5120xf32, #tpu.memory_space<vmem>>, vector<1x256xf32>
        %get3A_262 = arith.constant 3 : index
        %get3A_263 = arith.index_cast %mul3A_132 : i32 to index
        %get3A_264 = vector.load %arg2[%get3A_262, %get3A_263] : memref<8x5120xf32, #tpu.memory_space<vmem>>, vector<1x256xf32>
        %get3A_265 = arith.constant 4 : index
        %get3A_266 = arith.index_cast %mul3A_132 : i32 to index
        %get3A_267 = vector.load %arg2[%get3A_265, %get3A_266] : memref<8x5120xf32, #tpu.memory_space<vmem>>, vector<1x256xf32>
        %min3A_268 = vector.broadcast %get3A_246 : vector<256x1xf32> to vector<256x256xf32>
        %min3A_269 = vector.broadcast %get3A_261 : vector<1x256xf32> to vector<256x256xf32>
        %min3A_270 = arith.minimumf %min3A_268, %min3A_269 : vector<256x256xf32>
        %max3A_271 = vector.broadcast %get3A_240 : vector<256x1xf32> to vector<256x256xf32>
        %max3A_272 = vector.broadcast %get3A_255 : vector<1x256xf32> to vector<256x256xf32>
        %max3A_273 = arith.maximumf %max3A_271, %max3A_272 : vector<256x256xf32>
        %sub3A_274 = arith.subf %min3A_270, %max3A_273 : vector<256x256xf32>
        %max3A_275 = arith.constant 0.000000e+00 : f32
        %max3A_276 = vector.broadcast %max3A_275 : f32 to vector<256x256xf32>
        %max3A_277 = arith.maximumf %sub3A_274, %max3A_276 : vector<256x256xf32>
        %min3A_278 = vector.broadcast %get3A_249 : vector<256x1xf32> to vector<256x256xf32>
        %min3A_279 = vector.broadcast %get3A_264 : vector<1x256xf32> to vector<256x256xf32>
        %min3A_280 = arith.minimumf %min3A_278, %min3A_279 : vector<256x256xf32>
        %max3A_281 = vector.broadcast %get3A_243 : vector<256x1xf32> to vector<256x256xf32>
        %max3A_282 = vector.broadcast %get3A_258 : vector<1x256xf32> to vector<256x256xf32>
        %max3A_283 = arith.maximumf %max3A_281, %max3A_282 : vector<256x256xf32>
        %sub3A_284 = arith.subf %min3A_280, %max3A_283 : vector<256x256xf32>
        %max3A_285 = arith.constant 0.000000e+00 : f32
        %max3A_286 = vector.broadcast %max3A_285 : f32 to vector<256x256xf32>
        %max3A_287 = arith.maximumf %sub3A_284, %max3A_286 : vector<256x256xf32>
        %mul3A_288 = arith.mulf %max3A_277, %max3A_287 : vector<256x256xf32>
        %add3A_289 = vector.broadcast %get3A_252 : vector<256x1xf32> to vector<256x256xf32>
        %add3A_290 = vector.broadcast %get3A_267 : vector<1x256xf32> to vector<256x256xf32>
        %add3A_291 = arith.addf %add3A_289, %add3A_290 : vector<256x256xf32>
        %sub3A_292 = arith.subf %add3A_291, %mul3A_288 : vector<256x256xf32>
        %mul3A_293 = arith.constant 6.000000e-01 : f32
        %mul3A_294 = vector.broadcast %mul3A_293 : f32 to vector<256x256xf32>
        %mul3A_295 = arith.mulf %mul3A_294, %sub3A_292 : vector<256x256xf32>
        %gt3A_296 = arith.cmpf ogt, %mul3A_288, %mul3A_295 : vector<256x256xf32>
        %jit3A_297 = arith.constant 1.000000e+00 : f32
        %jit3A_298 = arith.constant 0.000000e+00 : f32
        %broadcast_in_dim3A_299 = vector.broadcast %jit3A_297 : f32 to vector<256x256xf32>
        %broadcast_in_dim3A_300 = vector.broadcast %jit3A_298 : f32 to vector<256x256xf32>
        %select_n3A_301 = arith.select %gt3A_296, %broadcast_in_dim3A_299, %broadcast_in_dim3A_300 : vector<256x256xi1>, vector<256x256xf32>
        %get3A_302 = arith.constant 0 : index
        %get3A_303 = arith.index_cast %mul3A_237 : i32 to index
        %get3A_304 = vector.load %arg4[%get3A_302, %get3A_303] : memref<1x5120xf32, #tpu.memory_space<vmem>>, vector<1x256xf32>
        %dot_general3A = arith.constant dense<0.000000e+00> : vector<1x256xf32>
        %dot_general3A_305 = tpu.matmul %get3A_304, %select_n3A_301, %dot_general3A {dimension_numbers = #tpu.dot_dimension_numbers<[1], [0], [0], [1], [0, 0, 1, 1], [], []>, transpose_lhs_hint = false} : vector<1x256xf32>, vector<256x256xf32>, vector<1x256xf32> -> vector<1x256xf32>
        %add3A_306 = arith.addf %while3A_235, %dot_general3A_305 : vector<1x256xf32>
        scf.yield %add3A_306 : vector<1x256xf32>
      }
      %get3A_148 = arith.constant 6 : index
      %get3A_149 = arith.index_cast %mul3A_132 : i32 to index
      %get3A_150 = vector.load %arg2[%get3A_148, %get3A_149] : memref<8x5120xf32, #tpu.memory_space<vmem>>, vector<1x256xf32>
      %ge3A = arith.constant 1.000000e-01 : f32
      %ge3A_151 = vector.broadcast %ge3A : f32 to vector<1x256xf32>
      %ge3A_152 = arith.cmpf oge, %get3A_150, %ge3A_151 : vector<1x256xf32>
      %jit3A = arith.constant 1.000000e+00 : f32
      %jit3A_153 = arith.constant 0.000000e+00 : f32
      %broadcast_in_dim3A_154 = vector.broadcast %jit3A : f32 to vector<1x256xf32>
      %broadcast_in_dim3A_155 = vector.broadcast %jit3A_153 : f32 to vector<1x256xf32>
      %select_n3A = arith.select %ge3A_152, %broadcast_in_dim3A_154, %broadcast_in_dim3A_155 : vector<1x256xi1>, vector<1x256xf32>
      %gt3A = arith.constant 5.000000e-01 : f32
      %gt3A_156 = vector.broadcast %gt3A : f32 to vector<1x256xf32>
      %gt3A_157 = arith.cmpf ogt, %while3A_147, %gt3A_156 : vector<1x256xf32>
      %jit3A_158 = arith.constant 0.000000e+00 : f32
      %broadcast_in_dim3A_159 = vector.broadcast %jit3A_158 : f32 to vector<1x256xf32>
      %select_n3A_160 = arith.select %gt3A_157, %broadcast_in_dim3A_159, %select_n3A : vector<1x256xi1>, vector<1x256xf32>
      %get3A_161 = arith.index_cast %mul3A_132 : i32 to index
      %get3A_162 = arith.constant 0 : index
      %get3A_163 = vector.load %arg3[%get3A_161, %get3A_162] : memref<5120x8xf32, #tpu.memory_space<vmem>>, vector<256x1xf32>
      %get3A_164 = arith.index_cast %mul3A_132 : i32 to index
      %get3A_165 = arith.constant 1 : index
      %get3A_166 = vector.load %arg3[%get3A_164, %get3A_165] : memref<5120x8xf32, #tpu.memory_space<vmem>>, vector<256x1xf32>
      %get3A_167 = arith.index_cast %mul3A_132 : i32 to index
      %get3A_168 = arith.constant 2 : index
      %get3A_169 = vector.load %arg3[%get3A_167, %get3A_168] : memref<5120x8xf32, #tpu.memory_space<vmem>>, vector<256x1xf32>
      %get3A_170 = arith.index_cast %mul3A_132 : i32 to index
      %get3A_171 = arith.constant 3 : index
      %get3A_172 = vector.load %arg3[%get3A_170, %get3A_171] : memref<5120x8xf32, #tpu.memory_space<vmem>>, vector<256x1xf32>
      %get3A_173 = arith.index_cast %mul3A_132 : i32 to index
      %get3A_174 = arith.constant 4 : index
      %get3A_175 = vector.load %arg3[%get3A_173, %get3A_174] : memref<5120x8xf32, #tpu.memory_space<vmem>>, vector<256x1xf32>
      %get3A_176 = arith.constant 0 : index
      %get3A_177 = arith.index_cast %mul3A_132 : i32 to index
      %get3A_178 = vector.load %arg2[%get3A_176, %get3A_177] : memref<8x5120xf32, #tpu.memory_space<vmem>>, vector<1x256xf32>
      %get3A_179 = arith.constant 1 : index
      %get3A_180 = arith.index_cast %mul3A_132 : i32 to index
      %get3A_181 = vector.load %arg2[%get3A_179, %get3A_180] : memref<8x5120xf32, #tpu.memory_space<vmem>>, vector<1x256xf32>
      %get3A_182 = arith.constant 2 : index
      %get3A_183 = arith.index_cast %mul3A_132 : i32 to index
      %get3A_184 = vector.load %arg2[%get3A_182, %get3A_183] : memref<8x5120xf32, #tpu.memory_space<vmem>>, vector<1x256xf32>
      %get3A_185 = arith.constant 3 : index
      %get3A_186 = arith.index_cast %mul3A_132 : i32 to index
      %get3A_187 = vector.load %arg2[%get3A_185, %get3A_186] : memref<8x5120xf32, #tpu.memory_space<vmem>>, vector<1x256xf32>
      %get3A_188 = arith.constant 4 : index
      %get3A_189 = arith.index_cast %mul3A_132 : i32 to index
      %get3A_190 = vector.load %arg2[%get3A_188, %get3A_189] : memref<8x5120xf32, #tpu.memory_space<vmem>>, vector<1x256xf32>
      %min3A = vector.broadcast %get3A_169 : vector<256x1xf32> to vector<256x256xf32>
      %min3A_191 = vector.broadcast %get3A_184 : vector<1x256xf32> to vector<256x256xf32>
      %min3A_192 = arith.minimumf %min3A, %min3A_191 : vector<256x256xf32>
      %max3A = vector.broadcast %get3A_163 : vector<256x1xf32> to vector<256x256xf32>
      %max3A_193 = vector.broadcast %get3A_178 : vector<1x256xf32> to vector<256x256xf32>
      %max3A_194 = arith.maximumf %max3A, %max3A_193 : vector<256x256xf32>
      %sub3A_195 = arith.subf %min3A_192, %max3A_194 : vector<256x256xf32>
      %max3A_196 = arith.constant 0.000000e+00 : f32
      %max3A_197 = vector.broadcast %max3A_196 : f32 to vector<256x256xf32>
      %max3A_198 = arith.maximumf %sub3A_195, %max3A_197 : vector<256x256xf32>
      %min3A_199 = vector.broadcast %get3A_172 : vector<256x1xf32> to vector<256x256xf32>
      %min3A_200 = vector.broadcast %get3A_187 : vector<1x256xf32> to vector<256x256xf32>
      %min3A_201 = arith.minimumf %min3A_199, %min3A_200 : vector<256x256xf32>
      %max3A_202 = vector.broadcast %get3A_166 : vector<256x1xf32> to vector<256x256xf32>
      %max3A_203 = vector.broadcast %get3A_181 : vector<1x256xf32> to vector<256x256xf32>
      %max3A_204 = arith.maximumf %max3A_202, %max3A_203 : vector<256x256xf32>
      %sub3A_205 = arith.subf %min3A_201, %max3A_204 : vector<256x256xf32>
      %max3A_206 = arith.constant 0.000000e+00 : f32
      %max3A_207 = vector.broadcast %max3A_206 : f32 to vector<256x256xf32>
      %max3A_208 = arith.maximumf %sub3A_205, %max3A_207 : vector<256x256xf32>
      %mul3A_209 = arith.mulf %max3A_198, %max3A_208 : vector<256x256xf32>
      %add3A_210 = vector.broadcast %get3A_175 : vector<256x1xf32> to vector<256x256xf32>
      %add3A_211 = vector.broadcast %get3A_190 : vector<1x256xf32> to vector<256x256xf32>
      %add3A_212 = arith.addf %add3A_210, %add3A_211 : vector<256x256xf32>
      %sub3A_213 = arith.subf %add3A_212, %mul3A_209 : vector<256x256xf32>
      %mul3A_214 = arith.constant 6.000000e-01 : f32
      %mul3A_215 = vector.broadcast %mul3A_214 : f32 to vector<256x256xf32>
      %mul3A_216 = arith.mulf %mul3A_215, %sub3A_213 : vector<256x256xf32>
      %gt3A_217 = arith.cmpf ogt, %mul3A_209, %mul3A_216 : vector<256x256xf32>
      %jit3A_218 = arith.constant 1.000000e+00 : f32
      %jit3A_219 = arith.constant 0.000000e+00 : f32
      %broadcast_in_dim3A_220 = vector.broadcast %jit3A_218 : f32 to vector<256x256xf32>
      %broadcast_in_dim3A_221 = vector.broadcast %jit3A_219 : f32 to vector<256x256xf32>
      %select_n3A_222 = arith.select %gt3A_217, %broadcast_in_dim3A_220, %broadcast_in_dim3A_221 : vector<256x256xi1>, vector<256x256xf32>
      %iota3A = tpu.iota {dimensions = array<i32: 0>} : vector<256x256xi32>
      %iota3A_223 = tpu.iota {dimensions = array<i32: 1>} : vector<256x256xi32>
      %gt3A_224 = arith.cmpi sgt, %iota3A_223, %iota3A : vector<256x256xi32>
      %jit3A_225 = arith.constant 0.000000e+00 : f32
      %broadcast_in_dim3A_226 = vector.broadcast %jit3A_225 : f32 to vector<256x256xf32>
      %select_n3A_227 = arith.select %gt3A_224, %select_n3A_222, %broadcast_in_dim3A_226 : vector<256x256xi1>, vector<256x256xf32>
      %swap3A_228 = arith.constant 0 : index
      %swap3A_229 = arith.index_cast %mul3A_132 : i32 to index
      %swap3A_230 = vector.load %arg4[%swap3A_228, %swap3A_229] : memref<1x5120xf32, #tpu.memory_space<vmem>>, vector<1x256xf32>
      tpu.vector_store %arg4[%swap3A_228, %swap3A_229], %select_n3A_160 {strides = array<i32>} : memref<1x5120xf32, #tpu.memory_space<vmem>>, vector<1x256xf32>,
      %while3A_231 = arith.constant 0 : i32
      %while3A_232 = arith.constant true
      %while3A_233:2 = scf.while (%while3A_234 = %while3A_231, %while3A_235 = %while3A_232) : (i32, i1) -> (i32, i1) {
        %lt3A = arith.constant 264 : i32
        %lt3A_236 = arith.cmpi slt, %while3A_234, %lt3A : i32
        %and3A = arith.andi %while3A_235, %lt3A_236 : i1
        scf.condition(%and3A) %while3A_234, %while3A_235 : i32, i1
      } do {
      ^bb0(%while3A_234: i32, %while3A_235: i1):
        %get3A_236 = arith.constant 0 : index
        %get3A_237 = arith.index_cast %mul3A_132 : i32 to index
        %get3A_238 = vector.load %arg4[%get3A_236, %get3A_237] : memref<1x5120xf32, #tpu.memory_space<vmem>>, vector<1x256xf32>
        %dot_general3A = arith.constant dense<0.000000e+00> : vector<1x256xf32>
        %dot_general3A_239 = tpu.matmul %get3A_238, %select_n3A_227, %dot_general3A {dimension_numbers = #tpu.dot_dimension_numbers<[1], [0], [0], [1], [0, 0, 1, 1], [], []>, transpose_lhs_hint = false} : vector<1x256xf32>, vector<256x256xf32>, vector<1x256xf32> -> vector<1x256xf32>
        %gt3A_240 = arith.constant 5.000000e-01 : f32
        %gt3A_241 = vector.broadcast %gt3A_240 : f32 to vector<1x256xf32>
        %gt3A_242 = arith.cmpf ogt, %dot_general3A_239, %gt3A_241 : vector<1x256xf32>
        %jit3A_243 = arith.constant 0.000000e+00 : f32
        %broadcast_in_dim3A_244 = vector.broadcast %jit3A_243 : f32 to vector<1x256xf32>
        %select_n3A_245 = arith.select %gt3A_242, %broadcast_in_dim3A_244, %select_n3A_160 : vector<1x256xi1>, vector<1x256xf32>
        %swap3A_246 = arith.constant 0 : index
        %swap3A_247 = arith.index_cast %mul3A_132 : i32 to index
        %swap3A_248 = vector.load %arg4[%swap3A_246, %swap3A_247] : memref<1x5120xf32, #tpu.memory_space<vmem>>, vector<1x256xf32>
        tpu.vector_store %arg4[%swap3A_246, %swap3A_247], %select_n3A_245 {strides = array<i32>} : memref<1x5120xf32, #tpu.memory_space<vmem>>, vector<1x256xf32>,
        %sub3A_249 = arith.subf %select_n3A_245, %get3A_238 : vector<1x256xf32>
        %abs3A = math.absf %sub3A_249 : vector<1x256xf32>
        %reduce_sum3A = vector.shape_cast %abs3A : vector<1x256xf32> to vector<1x1x256xf32>
        %reduce_sum3A_250 = arith.constant dense<0.000000e+00> : vector<1xf32>
        %reduce_sum3A_251 = vector.multi_reduction <add>, %reduce_sum3A, %reduce_sum3A_250 [1, 2] : vector<1x1x256xf32> to vector<1xf32>
        %reduce_sum3A_252 = vector.shape_cast %reduce_sum3A_251 : vector<1xf32> to vector<1x1x1xf32>
        %reduce_sum3A_253 = vector.extract %reduce_sum3A_252[0, 0, 0] : f32 from vector<1x1x1xf32>
        %gt3A_254 = arith.constant 0.000000e+00 : f32
        %gt3A_255 = arith.cmpf ogt, %reduce_sum3A_253, %gt3A_254 : f32
        %add3A_256 = arith.constant 1 : i32
        %add3A_257 = arith.addi %while3A_234, %add3A_256 : i32
        scf.yield %add3A_257, %gt3A_255 : i32, i1
      }
      scf.yield %while3A : i32
    }
    %scan3A_118 = arith.constant 20 : i32
    %get3A_119 = arith.constant 0 : index
    %get3A_120 = arith.constant 0 : index
    %get3A_121 = vector.load %arg4[%get3A_119, %get3A_120] : memref<1x5120xf32, #tpu.memory_space<vmem>>, vector<1x5120xf32>
    %get3A_122 = arith.constant 6 : index
    %get3A_123 = arith.constant 0 : index
    %get3A_124 = vector.load %arg2[%get3A_122, %get3A_123] : memref<8x5120xf32, #tpu.memory_space<vmem>>, vector<1x5120xf32>
    %mul3A_125 = arith.mulf %get3A_121, %get3A_124 : vector<1x5120xf32>
    %swap3A_126 = arith.constant 0 : index
    %swap3A_127 = arith.constant 0 : index
    %swap3A_128 = vector.load %arg1[%swap3A_126, %swap3A_127] : memref<1x5120xf32, #tpu.memory_space<vmem>>, vector<1x5120xf32>
    tpu.vector_store %arg1[%swap3A_126, %swap3A_127], %mul3A_125 {strides = array<i32>} : memref<1x5120xf32, #tpu.memory_space<vmem>>, vector<1x5120xf32>,
    return
  }
}

</mosaic_0001>

<sc_bundles>
// kernel: kernel.4.cloned.1.call-start
scs
__scs_entry_jumppad:
0x0: {  	(pc) =	sbr.rel $0x88, $3  }
0x1: {  	(tag) =	ssettag $0x0;
	lr =	simm.s32 $0x1  }
0x2: {  	[smem:$0x3F9E] =	sst lr;
	_ =	strace $0xD0000000  }
0x3: {  	_ = 	snop  }
0x4: {  	_ = 	snop  }
0x5: {  	_ = 	snop  }
0x6: {  	_ = 	snop  }
0x7: {  	_ = 	snop  }
__scs_overlays_trampoline_lowered:
0x8: {  	[smem:$0x3FAD] =	sst s0  }
0x9: {  	[smem:$0x3FAE] =	sst s1  }
0xa: {  	[smem:$0x3FAF] =	sst s2  }
0xb: {  	[smem:$0x3FB0] =	sst s3  }
0xc: {  	[smem:$0x3FB1] =	sst s4  }
0xd: {  	[smem:$0x3FB2] =	sst s5  }
0xe: {  	[smem:$0x3FB3] =	sst s6  }
0xf: {  	[smem:$0x3FB4] =	sst s7  }
0x10: {  	[smem:$0x3FB5] =	sst s8  }
0x11: {  	[smem:$0x3FB6] =	sst s9;
	s0 =	simm.s32 @!p0 $0x0  }
0x12: {  	s1 =	sld [smem:$0x3F9C];
	s0 =	simm.s32 @p0 $0x1  }
0x13: {  	[smem:$0x3FB7] =	sst s0;
	s0 =	simm.s32 @!p1 $0x0  }
0x14: {  	s2 =	sld [smem:$0x3F9B];
	s0 =	simm.s32 @p1 $0x1  }
0x15: {  	[smem:$0x3FB8] =	sst s0;
	s0 =	simm.s32 @!p2 $0x0  }
0x16: {  	s3 =	sld [smem:$0x3FDB];
	s0 =	simm.s32 @p2 $0x1  }
0x17: {  	s4 =	simm.s32 $0x1BF5;
	[smem:$0x3FBA] =	sst s0  }
0x18: {  	s0 =	sld [smem:$0x3F9D];
	_ =	swait.ge [sflag:s4], $0x0  }
0x19: {  	s7 =	sld [smem:$0x3F9E]  }
0x1a: {  	s8 =	sadd.s32 $0xFFFFE003, lr  }
0x1b: {  	s9 =	sadd.s32 $0xFFFFFEF7, lr;
	s5 =	simm.s32 $0xFFFFFFFF;
	p2 =	slt.u32 s8, $0xFFFFF086  }
0x1c: {  	p1 =	slt.u32 s9, $0xF7A;
	s5 =	simm.s32 @!p2 $0x0  }
0x1d: {  	s5 =	simm.s32 @p1 $0x1;
	p0 =	seq.s32 s7, s2  }
0x1e: {  	s7 =	smul.u32 @!p0 $0xF7A, s2;
	p2 =	seq.s32 @!p0 s5, $0x0  }
0x1f: {  	s9 =	smul.u32 $0xF7A, s1;
	s8 =	simm.s32 @!p0 $0x1BF5;
	p2 =	por !p2, p0  }
0x20: {  	[sflag:s8] =	ssyncset.s32 @!p0 $0xFFFFF086;
	s6 =	sadd.s32 @!p0 s3, s7;
	s7 =	simm.s32 @!p0 $0x108  }
0x21: {  	s3 =	sadd.s32 s3, s9;
	s6 =	sadd.s32 @!p0 $0x88, s6;
	s7 =	simm.s32 @p2 $0x1082  }
0x22: {  	[simem:s7], [sflag:s8] =	dma.local @!p0 [hbm:s6], $0xF7A  }
0x23: {  	s9 =	sor.u32 $0xD0000000, s2;
	s6 =	simm.s32 $0x108;
	_ =	swait.ge @!p0 [sflag:s8], $0x0  }
0x24: {  	s3 =	sadd.s32 $0x88, s3;
	s6 =	simm.s32 @!p1 $0x1082;
	[sflag:s4] =	ssyncset.s32 $0xFFFFF086  }
0x25: {  	[simem:s6], [sflag:s4] =	dma.local [hbm:s3], $0xF7A  }
0x26: {  	[smem:$0x3F9E] =	sst s1;
	(tag) =	ssettag s2;
	_ =	strace s9  }
0x27: {  	s1 =	sld [smem:$0x3FAE]  }
0x28: {  	s2 =	sld [smem:$0x3FAF]  }
0x29: {  	s4 =	sld [smem:$0x3FB1]  }
0x2a: {  	p0 =	seq.s32 s5, $0x0;
	s5 =	sld [smem:$0x3FB2]  }
0x2b: {  	s6 =	sld [smem:$0x3FB3]  }
0x2c: {  	s7 =	sld [smem:$0x3FB4]  }
0x2d: {  	s3 =	simm.s32 $0x108;
	s8 =	sld [smem:$0x3FB5]  }
0x2e: {  	s3 =	simm.s32 @!p0 $0x1082;
	s9 =	sld [smem:$0x3FB6]  }
0x2f: {  	lr =	sadd.s32 s0, s3;
	s0 =	sld [smem:$0x3FAD]  }
0x30: {  	s3 =	sld [smem:$0x3FB0]  }
0x31: {  	[smem:$0x3FB9] =	sst s10  }
0x32: {  	s10 =	sld [smem:$0x3FB7];
	_ =	sdelay $0x3  }
0x33: {  	p0 =	seq.s32 s10, $0x1;
	s10 =	sld [smem:$0x3FB9];
	_ =	sdelay $0x3  }
0x34: {  	[smem:$0x3FB9] =	sst s10  }
0x35: {  	s10 =	sld [smem:$0x3FB8];
	_ =	sdelay $0x3  }
0x36: {  	p1 =	seq.s32 s10, $0x1;
	s10 =	sld [smem:$0x3FB9];
	_ =	sdelay $0x3  }
0x37: {  	[smem:$0x3FB9] =	sst s10  }
0x38: {  	s10 =	sld [smem:$0x3FBA]  }
0x39: {  	_ = 	snop;
	(pc) =	sbr.ind lr, $3  }
0x3a: {  	_ = 	snop  }
0x3b: {  	_ = 	snop  }
0x3c: {  	p2 =	seq.s32 s10, $0x1;
	s10 =	sld [smem:$0x3FB9]  }
0x3d: {  	_ =	shalt  }
0x3e: {  	_ =	shalt  }
0x3f: {  	_ =	shalt  }
0x40: {  	_ =	shalt  }
0x41: {  	_ =	shalt  }
0x42: {  	_ =	shalt  }
0x43: {  	_ =	shalt  }
0x44: {  	_ =	shalt  }
0x45: {  	_ =	shalt  }
0x46: {  	_ =	shalt  }
0x47: {  	_ =	shalt  }
0x48: {  	_ =	shalt  }
0x49: {  	_ =	shalt  }
0x4a: {  	_ =	shalt  }
0x4b: {  	_ =	shalt  }
0x4c: {  	_ =	shalt  }
0x4d: {  	_ =	shalt  }
0x4e: {  	_ =	shalt  }
0x4f: {  	_ =	shalt  }
0x50: {  	_ =	shalt  }
0x51: {  	_ =	shalt  }
0x52: {  	_ =	shalt  }
0x53: {  	_ =	shalt  }
0x54: {  	_ =	shalt  }
0x55: {  	_ =	shalt  }
0x56: {  	_ =	shalt  }
0x57: {  	_ =	shalt  }
0x58: {  	_ =	shalt  }
0x59: {  	_ =	shalt  }
0x5a: {  	_ =	shalt  }
0x5b: {  	_ =	shalt  }
0x5c: {  	_ =	shalt  }
0x5d: {  	_ =	shalt  }
0x5e: {  	_ =	shalt  }
0x5f: {  	_ =	shalt  }
0x60: {  	_ =	shalt  }
0x61: {  	_ =	shalt  }
0x62: {  	_ =	shalt  }
0x63: {  	_ =	shalt  }
0x64: {  	_ =	shalt  }
0x65: {  	_ =	shalt  }
0x66: {  	_ =	shalt  }
0x67: {  	_ =	shalt  }
0x68: {  	_ =	shalt  }
0x69: {  	_ =	shalt  }
0x6a: {  	_ =	shalt  }
0x6b: {  	_ =	shalt  }
0x6c: {  	_ =	shalt  }
0x6d: {  	_ =	shalt  }
0x6e: {  	_ =	shalt  }
0x6f: {  	_ =	shalt  }
0x70: {  	_ =	shalt  }
0x71: {  	_ =	shalt  }
0x72: {  	_ =	shalt  }
0x73: {  	_ =	shalt  }
0x74: {  	_ =	shalt  }
0x75: {  	_ =	shalt  }
0x76: {  	_ =	shalt  }
0x77: {  	_ =	shalt  }
0x78: {  	_ =	shalt  }
0x79: {  	_ =	shalt  }
0x7a: {  	_ =	shalt  }
0x7b: {  	_ =	shalt  }
0x7c: {  	_ =	shalt  }
0x7d: {  	_ =	shalt  }
0x7e: {  	_ =	shalt  }
0x7f: {  	_ =	shalt  }
0x80: {  	_ =	shalt  }
0x81: {  	_ =	shalt  }
0x82: {  	_ =	shalt  }
0x83: {  	_ =	shalt  }
0x84: {  	_ =	shalt  }
0x85: {  	_ =	shalt  }
0x86: {  	_ =	shalt  }
0x87: {  	_ =	shalt  }
.Lfunc_end0:
.L_simem_size_0:
called_computation_lowered:
.L_overlay_start_0:
0x88: {  	s2 =	sld [smem:$0x3FD9]  }
0x89: {  	s3 =	sld [smem:$0x3FFE];
	_ =	sdelay $0x1  }
0x8a: {  	s1 =	srdreg.scid  }
0x8b: {  	s0 =	sand.u32 $0x1, s1  }
0x8c: {  	s17 =	sshll.u32 s0, $0xA;
	s2 =	sadd.s32 s3, s2  }
0x8d: {  	s2 =	sadd.s32 s2, s17  }
0x8e: {  	[smem:$0x3FC5] =	sst s2  }
0x8f: {  	_ = 	snop  }
0x90: {  	s2 =	sld [smem:$0x3FD0];
	(tm) =	ssettm $0x1  }
0x91: {  	s18 =	sld [smem:$0x3FFB];
	_ =	sdelay $0x3  }
0x92: {  	_ =	strace s18  }
0x93: {  	s3 =	sld [smem:$0x3FFC];
	_ =	sdelay $0x3  }
0x94: {  	_ =	strace s3  }
0x95: {  	s3 =	sld [smem:$0x3FFD];
	_ =	sdelay $0x3  }
0x96: {  	_ =	strace s3  }
0x97: {  	_ =	strace $0x8FFFFFFF  }
0x98: {  	s19 =	sld [smem:$0x3FDB];
	_ =	sdelay $0x1  }
0x99: {  	s4 =	simm.s32 $_scs_section_size  }
0x9a: {  	s5 =	simm.s32 $_size__tile_overlayer_lowered;
	s6 =	simm.s32 $_tile_overlayer_lowered  }
0x9b: {  	s22 =	simm.s32 $0x1BFF;
	s21 =	sshll.u32 s6, $0x1;
	s3 =	sadd.s32 s4, s19  }
0x9c: {  	s7 =	simm.s32 $0x0;
	s20 =	sshll.u32 s5, $0x1;
	s5 =	sadd.s32 s21, s3  }
0x9d: {  	[timem:s7], [sflag:s22] =	dma.local [hbm:s5], s20  }
0x9e: {  	_ =	swait.ge [sflag:s22], s20  }
0x9f: {  	s4 =	ssub.s32 $0x0, s20;
	[sflag:s22] =	ssyncset.done $0x0  }
0xa0: {  	[sflag:s22] =	ssyncadd.s32 s4;
	_ =	sdelay $0x1  }
0xa1: {  	s23 =	simm.s32 $0x1B8B  }
0xa2: {  	_ =	swait.ge [sflag:s23], $0x1  }
0xa3: {  	[sflag:s23] =	ssyncset.done $0x0  }
0xa4: {  	s25 =	simm.s32 $0x1B8E;
	s24 =	sld [smem:$0x3FFE];
	[sflag:s23] =	ssyncadd.s32 $0xFFFFFFFF  }
0xa5: {  	s26 =	simm.s32 $execute0_lowered;
	[smem:$0x3FD2] =	sst s25  }
0xa6: {  	s5 =	sshll.u32 s26, $0x1;
	_ =	strace $0x80000046;
	[dreg:$0x1] =	wrdreg $0xFFFFFFFF  }
0xa7: {  	s28 =	simm.s32 $_size_execute0_lowered;
	s3 =	sadd.s32 s3, s5;
	[dreg:$0x0] =	wrdreg $0x0  }
0xa8: {  	s5 =	sshll.u32 s28, $0x1;
	[dreg:$0x2] =	wrdreg s3  }
0xa9: {  	[dreg:$0x3] =	wrdreg s5  }
0xaa: {  	[dreg:$0x4] =	wrdreg $0xC0  }
0xab: {  	_ =	task [dreg:s7], $0x5FFFF  }
0xac: {  	[dreg:$0x1] =	wrdreg $0xFFFFFFFF  }
0xad: {  	[dreg:$0x0] =	wrdreg $0x60  }
0xae: {  	[dreg:$0x2] =	wrdreg s24  }
0xaf: {  	[dreg:$0x3] =	wrdreg s2  }
0xb0: {  	[dreg:$0x4] =	wrdreg $0x9  }
0xb1: {  	_ =	task.clear_ibuf [dreg:s7], $0x5FFFF;
	_ =	strace $0x90000046  }
0xb2: {  	s29 =	simm.s32 $0x9;
	_ =	strace $0x80000048  }
0xb3: {  	_ =	swait.ge [sflag:s29], $0x1  }
0xb4: {  	[sflag:s29] =	ssyncadd.s32 $0xFFFFFFFF  }
0xb5: {  	_ =	strace $0x90000048  }
0xb6: {  	_ =	sfence  }
0xb7: {  	s30 =	sld [smem:$0x0];
	_ =	sdelay $0x2  }
0xb8: {  	s31 =	sshll.u32 s1, $0xD;
	s1 =	sshrl.u32 s1, $0x2  }
0xb9: {  	s3 =	sand.u32 $0x4000, s31;
	s1 =	sadd.s32 s1, s30  }
0xba: {  	s0 =	sor.u32 s3, s0;
	s1 =	sshll.u32 s1, $0x11  }
0xbb: {  	s0 =	sor.u32 s1, s0  }
0xbc: {  	s0 =	sadd.s32 $0x8F2B, s0  }
0xbd: {  	[sflag:s0] =	ssyncadd.remote.s32 $0x1  }
0xbe: {  	_ =	sfence.sel $0xFFFF  }
0xbf: {  	[dreg:$0x0] =	wrdreg $0xFFFFFFFF;
	(pc) =	sbr.abs _section_cstart, $3  }
0xc0: {  	[dreg:$0x1] =	wrdreg $0xFFFFFFFF  }
0xc1: {  	_ =	task.clear_ibuf [dreg:s7], $0x2FFFF;
	_ =	strace $0x9FFFFFFF  }
0xc2: {  	(tm) =	ssettm $0x7FFFFFFF  }
0xc3: {  	_ =	shalt  }
tec
execute0_lowered:
.L_overlay_start_1:
0x0: {  	(tag) =	ssettag $0x1  }
0x1: {  	s1 =	srdreg.scid;
	s0 =	stileid.u32  }
0x2: {  	s2 =	rddreg [dreg:$0x0];
	s6 =	sand.u32 $0x1, s1;
	s31 =	sshll.u32 s0, $0x1  }
0x3: {  	s4 =	rddreg [dreg:$0x1];
	s3 =	simm.s32 $0x0;
	s7 =	sor.u32 s6, s31  }
0x4: {  	[smem:$0x7FF] =	sst s3;
	s5 =	smul.u32 $0x14, s7  }
0x5: {  	s1 =	rddreg [dreg:$0x2];
	_ =	strace $0x80000047  }
0x6: {  	s9 =	ssub.s32 $0x2, s6;
	s5 =	sadd.s32 s4, s5;
	s4 =	simm.s32 $0x2  }
0x7: {  	[tilespmem:s3], [sflag:$0x2] =	stream.linear.gather [hbm4b:s5+s3], $0xA0, $0x38;
	[tilespmem:$0x5A0] =	vst v63  }
0x8: {  	s6 =	simm.s32 $0xA0;
	s10 =	sshrl.u32 s9, $0x1;
	_ =	swait.ge [sflag:s4], $0xA0  }
0x9: {  	s8 =	smul.u32 $0xA0, s7;
	s9 =	ssub.s32 s9, s10;
	[sflag:s4] =	ssyncset.done $0x0  }
0xa: {  	s7 =	simm.s32 $0x1;
	s9 =	smax.u32 s9, $0x1;
	[sflag:s4] =	ssyncadd.s32 $0xFFFFFF60  }
0xb: {  	[tilespmem:s6], [sflag:$0x1] =	stream.indirect.gather [hbm4b:s2+s6], $0x8, s3, s6, $0xb8;
	[tilespmem:$0x5A0] =	vst v63  }
0xc: {  	p0 =	sne.s32 s9, $0x1;
	_ =	swait.ge [sflag:s7], $0x500  }
.Ltmp0:
0xd: {  	s8 =	sadd.s32 s8, s2;
	[sflag:s7] =	ssyncset.done $0x0;
	(pc) =	sbr.rel @!p0 .LBB2_2-.Ltmp0, $4  }
0xe: {  	s8 =	sadd.s32 $0x1400, s8;
	[sflag:s7] =	ssyncadd.s32 $0xFFFFFB00  }
0xf: {  	[hbm4b:s8+s3] =	stream.linear.scatter [tilespmem:s6], [sflag:$0x2], $0x500, $0x38;
	[tilespmem:$0x5A0] =	vst v63  }
0x10: {  	_ =	swait.ge [sflag:s4], $0x500  }
0x11: {  	s9 =	sadd.s32 $0xFFFFFFFF, s9;
	[sflag:s4] =	ssyncset.done $0x0  }
.LBB2_1:
0x12: {  	p0 =	sne.s32 s9, $0x1;
	s9 =	sadd.s32 $0xFFFFFFFF, s9;
	[sflag:s4] =	ssyncadd.s32 $0xFFFFFB00  }
0x13: {  	[tilespmem:s3], [sflag:$0x2] =	stream.linear.gather [hbm4b:s5+s3], $0xA0, $0x38;
	[tilespmem:$0x5A0] =	vst v63  }
0x14: {  	_ =	swait.ge [sflag:s4], $0xA0  }
0x15: {  	[sflag:s4] =	ssyncset.done $0x0  }
0x16: {  	[sflag:s4] =	ssyncadd.s32 $0xFFFFFF60  }
0x17: {  	[tilespmem:s6], [sflag:$0x1] =	stream.indirect.gather [hbm4b:s2+s6], $0x8, s3, s6, $0xb8;
	[tilespmem:$0x5A0] =	vst v63  }
0x18: {  	_ =	swait.ge [sflag:s7], $0x500  }
.Ltmp1:
0x19: {  	[sflag:s7] =	ssyncset.done $0x0;
	(pc) =	sbr.rel @p0 .LBB2_1-.Ltmp1, $4  }
0x1a: {  	[sflag:s7] =	ssyncadd.s32 $0xFFFFFB00  }
0x1b: {  	[hbm4b:s8+s3] =	stream.linear.scatter [tilespmem:s6], [sflag:$0x2], $0x500, $0x38;
	[tilespmem:$0x5A0] =	vst v63  }
0x1c: {  	_ =	swait.ge [sflag:s4], $0x500  }
0x1d: {  	[sflag:s4] =	ssyncset.done $0x0  }
.LBB2_2:
0x1e: {  	[sflag:s4] =	ssyncadd.s32 $0xFFFFFB00  }
0x1f: {  	_ =	sfence.sel $0x180000  }
0x20: {  	[bflag:$0x0] =	sbarrier.arrive $0xFFFF  }
0x21: {  	p0 =	sne.s32 s0, $0x0;
	_ =	strace $0x90000047  }
0x22: {  	s0 =	sadd.s32 @!p0 $0x100000, s1;
	[bflag:$0x2] =	sbarrier.arrive $0xFFFF  }
0x23: {  	[sflag:s0] =	ssyncadd.tile.s32 @!p0 $0x1;
	_ =	shalt  }
.Lfunc_end2:
_tile_overlayer_lowered:
.L_overlay_start_2:
0x24: {  	(tag) =	ssettag $0x2  }
0x25: {  	s0 =	rddreg [dreg:$0x0];
	s2 =	stileid.u32  }
0x26: {  	s1 =	rddreg [dreg:$0x1];
	p0 =	sne.s32 s2, $0x0  }
0x27: {  	s3 =	rddreg [dreg:$0x2];
	[bflag:$0x3] =	sbarrier.arrive $0xFFFF;
	s2 =	simm.s32 @!p0 $0x1C02  }
0x28: {  	[timem:s3], [sflag:s2] =	dma.local @!p0 [hbm:s0], s1  }
0x29: {  	s0 =	simm.s32 @!p0 $0x2  }
0x2a: {  	_ =	swait.ge @!p0 [sflag:s0], s1  }
0x2b: {  	s1 =	ssub.s32 @!p0 $0x0, s1;
	[sflag:s0] =	ssyncset.done @!p0 $0x0  }
0x2c: {  	[sflag:s0] =	ssyncadd.s32 @!p0 s1  }
0x2d: {  	[bflag:$0x3] =	sbarrier.arrive $0xFFFF  }
0x2e: {  	_ =	shalt  }

</sc_bundles>
